<compile_context>
chip_gen: v7x
topology: tpu7x:2x2x1
jax: 0.10.2.dev20260603
libtpu: 0.0.44.dev20260713+nightly
codegen_flags: <defaults>
</compile_context>

<pallas_src>
import functools
import math

import jax
import jax.numpy as jnp
import numpy as np
from jax import lax
from jax.experimental import pallas as pl
from jax.experimental.pallas import tpu as pltpu
from jax.experimental.pallas import tpu_sc as plsc

B, N, E = 4, 2048, 128
V = N
VBLK = 512
NV = V // VBLK
_SCALE = 1.0 / math.sqrt(E)

NC, NS = 2, 16
NW = NC * NS
R = B * V
CH = 128
RG = R // CH
NCH = RG // NW


def _sinusoidal_pe(L, D):
    pos = np.arange(L, dtype=np.float32)[:, None]
    div = np.exp(np.arange(0, D, 2, dtype=np.float32) * (-math.log(10000.0) / D))
    pe = np.zeros((L, D), dtype=np.float32)
    pe[:, 0::2] = np.sin(pos * div)
    pe[:, 1::2] = np.cos(pos * div)
    return pe


_PE = _sinusoidal_pe(N, E)


def _whole_kernel(fz_ref, Wtgt_ref, btgt_ref, whole_ref):
    fz = fz_ref[...]
    whole_ref[...] = (fz[:, 0:1] * Wtgt_ref[0:1, :]
                      + fz[:, 1:2] * Wtgt_ref[1:2, :] + btgt_ref[...])


@functools.cache
def _make_sc_gather():
    mesh = plsc.VectorSubcoreMesh(core_axis_name="c", subcore_axis_name="s")

    @functools.partial(
        pl.kernel,
        mesh=mesh,
        out_type=jax.ShapeDtypeStruct((RG, CH, E), jnp.float32),
        scratch_types=[
            pltpu.VMEM((NCH, CH), jnp.int32),
            pltpu.VMEM((NCH, CH, E), jnp.float32),
            pltpu.SemaphoreType.DMA,
        ],
    )
    def _sc_gather(table_hbm, idx_hbm, out_hbm, idx_v, rows_v, sem):
        wid = lax.axis_index("s") * NC + lax.axis_index("c")
        base = wid * NCH
        pltpu.sync_copy(idx_hbm.at[pl.ds(base, NCH)], idx_v)
        cps = [pltpu.async_copy(table_hbm.at[idx_v.at[j]], rows_v.at[j], sem)
               for j in range(NCH)]
        for cp in cps:
            cp.wait()
        pltpu.sync_copy(rows_v, out_hbm.at[pl.ds(base, NCH)])

    return _sc_gather


def _kv_kernel(src_ref, fz_ref, Wsrc_ref, bsrc_ref, Wpe_ref, Wenc_ref,
               benc_ref, Wk_ref, Wv_ref, k_ref, v_ref):
    src = src_ref[0]
    fz = fz_ref[0]
    se = (fz[:, 0:1] * Wsrc_ref[0:1, :] + fz[:, 1:2] * Wsrc_ref[1:2, :]
          + bsrc_ref[...]
          + src[:, 0:1] * Wpe_ref[0:1, :] + src[:, 1:2] * Wpe_ref[1:2, :])
    mem = jnp.maximum(
        jnp.dot(se, Wenc_ref[...], preferred_element_type=jnp.float32)
        + benc_ref[...], 0.0)
    k_ref[0] = jnp.dot(mem, Wk_ref[...], preferred_element_type=jnp.float32)
    v_ref[0] = jnp.dot(mem, Wv_ref[...], preferred_element_type=jnp.float32)


def _attn_kernel(g_ref, k_ref, v_ref, pe_ref, Wq_ref, Wo_ref, out_ref):
    temb = g_ref[0] + pe_ref[...]
    q = jnp.dot(temb, Wq_ref[...], preferred_element_type=jnp.float32)
    s = jax.lax.dot_general(
        q, k_ref[0], (((1,), (1,)), ((), ())),
        preferred_element_type=jnp.float32) * _SCALE
    mx = jnp.max(s, axis=-1, keepdims=True)
    p = jnp.exp(s - mx)
    denom = jnp.sum(p, axis=-1, keepdims=True)
    o = jnp.dot(p, v_ref[0], preferred_element_type=jnp.float32) / denom
    out_ref[0] = jnp.dot(o, Wo_ref[...], preferred_element_type=jnp.float32)


def kernel(src, src_fuzzy, tgt, tgt_mask, W_src, b_src, W_pe, W_enc, b_enc,
           W_tgt, b_tgt, Wq, Wk, Wv, Wo):
    del tgt_mask

    whole = pl.pallas_call(
        _whole_kernel,
        in_specs=[
            pl.BlockSpec((B * N, 2), lambda: (0, 0)),
            pl.BlockSpec((2, E), lambda: (0, 0)),
            pl.BlockSpec((1, E), lambda: (0, 0)),
        ],
        out_specs=pl.BlockSpec((B * N, E), lambda: (0, 0)),
        out_shape=jax.ShapeDtypeStruct((B * N, E), jnp.float32),
    )(src_fuzzy.reshape(B * N, 2), W_tgt, b_tgt.reshape(1, E))

    idx = (tgt + (jnp.arange(B, dtype=jnp.int32) * N)[:, None]).reshape(RG, CH)
    gathered = _make_sc_gather()(whole, idx).reshape(B, V, E)

    full = lambda shape: pl.BlockSpec(shape, lambda b: tuple(0 for _ in shape))
    k, v = pl.pallas_call(
        _kv_kernel,
        grid=(B,),
        in_specs=[
            pl.BlockSpec((1, N, 2), lambda b: (b, 0, 0)),
            pl.BlockSpec((1, N, 2), lambda b: (b, 0, 0)),
            full((2, E)), full((1, E)), full((2, E)), full((E, E)),
            full((1, E)), full((E, E)), full((E, E)),
        ],
        out_specs=[
            pl.BlockSpec((1, N, E), lambda b: (b, 0, 0)),
            pl.BlockSpec((1, N, E), lambda b: (b, 0, 0)),
        ],
        out_shape=[
            jax.ShapeDtypeStruct((B, N, E), jnp.float32),
            jax.ShapeDtypeStruct((B, N, E), jnp.float32),
        ],
    )(src, src_fuzzy, W_src, b_src.reshape(1, E), W_pe, W_enc,
      b_enc.reshape(1, E), Wk, Wv)

    return pl.pallas_call(
        _attn_kernel,
        grid=(B, NV),
        in_specs=[
            pl.BlockSpec((1, VBLK, E), lambda b, vb: (b, vb, 0)),
            pl.BlockSpec((1, N, E), lambda b, vb: (b, 0, 0)),
            pl.BlockSpec((1, N, E), lambda b, vb: (b, 0, 0)),
            pl.BlockSpec((VBLK, E), lambda b, vb: (vb, 0)),
            pl.BlockSpec((E, E), lambda b, vb: (0, 0)),
            pl.BlockSpec((E, E), lambda b, vb: (0, 0)),
        ],
        out_specs=pl.BlockSpec((1, VBLK, E), lambda b, vb: (b, vb, 0)),
        out_shape=jax.ShapeDtypeStruct((B, V, E), jnp.float32),
    )(gathered, k, v, _PE, Wq, Wo)

# --- scband reference (transcript-rebuilt; emitter-appended) ---
"""Pipeline reference for scband-encoder-decoder2-73452530696922 (READ-ONLY COPY).

The authoritative reference and input builder live on the scoring server;
editing this copy changes nothing except your own understanding.
"""

import jax, jax.numpy as jnp
import numpy as np
import math

B, N, E = 4, 2048, 128
V = N

def sinusoidal_pe(L, D):
    pos = np.arange(L, dtype=np.float32)[:, None]
    div = np.exp(np.arange(0, D, 2, dtype=np.float32) * (-math.log(10000.0) / D))
    pe = np.zeros((L, D), dtype=np.float32)
    pe[:, 0::2] = np.sin(pos * div)
    pe[:, 1::2] = np.cos(pos * div)
    return jnp.asarray(pe)

def setup_inputs(seed: int = 0):
    key = jax.random.key(seed)
    ks = jax.random.split(key, 16)
    src = jax.random.normal(ks[0], (B, N, 2), dtype=jnp.float32)
    src_fuzzy = src + 0.01 * jax.random.normal(ks[1], (B, N, 2), dtype=jnp.float32)
    tgt = jax.random.randint(ks[2], (B, V), 0, N, dtype=jnp.int32)
    tgt_mask = jnp.ones((1, V, V), dtype=bool)
    W_src = jax.random.normal(ks[3], (2, E), dtype=jnp.float32) / math.sqrt(2.0)
    b_src = jnp.zeros((E,), dtype=jnp.float32)
    W_pe = jax.random.normal(ks[4], (2, E), dtype=jnp.float32) / math.sqrt(2.0)
    W_enc = jax.random.normal(ks[5], (E, E), dtype=jnp.float32) / math.sqrt(E)
    b_enc = jnp.zeros((E,), dtype=jnp.float32)
    W_tgt = jax.random.normal(ks[6], (2, E), dtype=jnp.float32) / math.sqrt(2.0)
    b_tgt = jnp.zeros((E,), dtype=jnp.float32)
    Wq = jax.random.normal(ks[7], (E, E), dtype=jnp.float32) / math.sqrt(E)
    Wk = jax.random.normal(ks[8], (E, E), dtype=jnp.float32) / math.sqrt(E)
    Wv = jax.random.normal(ks[9], (E, E), dtype=jnp.float32) / math.sqrt(E)
    Wo = jax.random.normal(ks[10], (E, E), dtype=jnp.float32) / math.sqrt(E)
    return {"src": src, "src_fuzzy": src_fuzzy, "tgt": tgt, "tgt_mask": tgt_mask,
            "W_src": W_src, "b_src": b_src, "W_pe": W_pe, "W_enc": W_enc, "b_enc": b_enc,
            "W_tgt": W_tgt, "b_tgt": b_tgt, "Wq": Wq, "Wk": Wk, "Wv": Wv, "Wo": Wo}

def reference(src, src_fuzzy, tgt, tgt_mask, W_src, b_src, W_pe, W_enc, b_enc, W_tgt, b_tgt, Wq, Wk, Wv, Wo):
    # ---- encode(src, src_fuzzy) ----
    src_emb = src_fuzzy @ W_src + b_src          # src_embed (Linear on fuzzy 2-D coords)
    src_emb = src_emb + src @ W_pe               # encoder_pe conditioned on true coords
    memory = jax.nn.relu(src_emb @ W_enc + b_enc)  # encoder
    # ---- decode(memory, src_fuzzy, tgt, tgt_mask, -1) ----
    pe = sinusoidal_pe(N, E)
    valid = tgt != -1
    safe = jnp.where(valid, tgt, 0)
    whole = src_fuzzy @ W_tgt + b_tgt            # tgt_embed(src_fuzzy): [B, N, E]
    # scatter-overwrite tgt_embeddings[b, v, :] = whole[b, tgt[b,v], :] at valid (b,v)
    gathered = jnp.take_along_axis(whole, safe[:, :, None], axis=1)  # [B, V, E]
    tgt_emb = jnp.where(valid[:, :, None], gathered, 0.0)
    # decoder_pe: returns (x + pe, pe)
    tgt_emb = tgt_emb + pe[None, :V, :]
    circular_pe = jnp.broadcast_to(pe[None, :, :], (memory.shape[0], N, E))
    # decoding_idx == -1 branch: generator.got_cpe(zeros) -> side effect only
    ith_cpe = jnp.zeros_like(circular_pe)
    del ith_cpe
    # ---- decoder(tgt_embeddings, memory, tgt_mask): masked cross-attention ----
    q = tgt_emb @ Wq
    k = memory @ Wk
    v = memory @ Wv
    scores = jnp.einsum('bvd,bnd->bvn', q, k) / math.sqrt(E)
    scores = jnp.where(tgt_mask, scores, -1e9)
    attn = jax.nn.softmax(scores, axis=-1)
    out = jnp.einsum('bvn,bnd->bvd', attn, v) @ Wo
    return out

if __name__ == "__main__":
    import jax
    _d = setup_inputs()
    print(jax.jit(kernel)(*tuple(_d.values())))

</pallas_src>

<mosaic_0001>
#map = affine_map<(d0, d1) -> (0, 0)>
#map1 = affine_map<(d0, d1) -> (0, 0, 0)>
module attributes {stable_mosaic.version = 14 : i64} {
  func.func @_sc_gather(%arg0: i32, %arg1: i32, %arg2: memref<8192x128xf32, #tpu.memory_space<hbm>>, %arg3: memref<64x128xi32, #tpu.memory_space<hbm>>, %arg4: memref<64x128x128xf32, #tpu.memory_space<hbm>>, %arg5: memref<2x128xi32, #tpu.memory_space<vmem>>, %arg6: memref<2x128x128xf32, #tpu.memory_space<vmem>>, %arg7: memref<!tpu.dma_semaphore, #tpu.memory_space<semaphore_mem>>) attributes {dimension_semantics = [#tpu.dimension_semantics<core_parallel>, #tpu.dimension_semantics<subcore_parallel>], iteration_bounds = array<i64: 2, 16>, scalar_prefetch = 0 : i64, scratch_operands = 3 : i64, tpu.core_type = #tpu.core_type<sc_vector_subcore>, window_params = [{transform_indices = #map}, {transform_indices = #map}, {transform_indices = #map1}]} {
    %mul3A = arith.constant 2 : i32
    %mul3A_0 = arith.muli %arg1, %mul3A : i32
    %add3A = arith.addi %mul3A_0, %arg0 : i32
    %mul3A_1 = arith.constant 2 : i32
    %mul3A_2 = arith.muli %add3A, %mul3A_1 : i32
    "tpu.region"() ({
      %run_scoped3A = tpu.sem_alloc : memref<!tpu.dma_semaphore, #tpu.memory_space<semaphore_mem>>
      %dma_start3A_49 = arith.constant 0 : i32
      %dma_start3A_50 = tpu.memref_slice %arg3[%mul3A_2, %dma_start3A_49] : memref<64x128xi32, #tpu.memory_space<hbm>> -> memref<2x128xi32, #tpu.memory_space<hbm>>
      %dma_start3A_51 = arith.constant 0 : i32
      %dma_start3A_52 = tpu.memref_slice %arg3[%mul3A_2, %dma_start3A_51] : memref<64x128xi32, #tpu.memory_space<hbm>> -> memref<2x128xi32, #tpu.memory_space<hbm>>
      tpu.enqueue_dma source(%dma_start3A_52 : memref<2x128xi32, #tpu.memory_space<hbm>>) target(%arg5 : memref<2x128xi32, #tpu.memory_space<vmem>>) target_semaphore(%run_scoped3A : memref<!tpu.dma_semaphore, #tpu.memory_space<semaphore_mem>>)
      %dma_wait3A_53 = arith.constant 0 : i32
      %dma_wait3A_54 = tpu.memref_slice %arg3[%mul3A_2, %dma_wait3A_53] : memref<64x128xi32, #tpu.memory_space<hbm>> -> memref<2x128xi32, #tpu.memory_space<hbm>>
      %dma_wait3A_55 = arith.constant 0 : i32
      %dma_wait3A_56 = tpu.memref_slice %arg3[%mul3A_2, %dma_wait3A_55] : memref<64x128xi32, #tpu.memory_space<hbm>> -> memref<2x128xi32, #tpu.memory_space<hbm>>
      tpu.wait_dma2 semaphore(%run_scoped3A : memref<!tpu.dma_semaphore, #tpu.memory_space<semaphore_mem>>) src(%dma_wait3A_56 : memref<2x128xi32, #tpu.memory_space<hbm>>) dst(%arg5 : memref<2x128xi32, #tpu.memory_space<vmem>>)
      tpu.yield
    }) : () -> ()
    %dma_start3A = arith.constant 0 : i32
    %dma_start3A_3 = arith.constant 0 : i32
    %dma_start3A_4 = arith.constant 0 : i32
    %dma_start3A_5 = arith.constant 0 : i32
    %dma_start3A_6 = tpu.memref_slice %arg6[%dma_start3A_3, %dma_start3A_4, %dma_start3A_5] : memref<2x128x128xf32, #tpu.memory_space<vmem>> -> memref<1x128x128xf32, #tpu.memory_space<vmem>>
    %dma_start3A_7 = tpu.memref_squeeze %dma_start3A_6 : memref<1x128x128xf32, #tpu.memory_space<vmem>> -> memref<128x128xf32, #tpu.memory_space<vmem>>
    %dma_start3A_8 = arith.constant 0 : i32
    %dma_start3A_9 = tpu.memref_slice %arg5[%dma_start3A, %dma_start3A_8] : memref<2x128xi32, #tpu.memory_space<vmem>> -> memref<1x128xi32, #tpu.memory_space<vmem>>
    %dma_start3A_10 = tpu.memref_squeeze %dma_start3A_9 : memref<1x128xi32, #tpu.memory_space<vmem>> -> memref<128xi32, #tpu.memory_space<vmem>>
    %dma_start3A_11 = arith.constant 0 : i32
    %dma_start3A_12 = arith.constant 0 : i32
    %dma_start3A_13 = tpu.memref_slice %arg2[%dma_start3A_11, %dma_start3A_12] : memref<8192x128xf32, #tpu.memory_space<hbm>> -> memref<8192x128xf32, #tpu.memory_space<hbm>>
    tpu.enqueue_indirect_dma source(%dma_start3A_13 : memref<8192x128xf32, #tpu.memory_space<hbm>>) target(%dma_start3A_7 : memref<128x128xf32, #tpu.memory_space<vmem>>) offsets(%dma_start3A_10 : memref<128xi32, #tpu.memory_space<vmem>>) semaphore(%arg7 : memref<!tpu.dma_semaphore, #tpu.memory_space<semaphore_mem>>)
    %dma_start3A_14 = arith.constant 1 : i32
    %dma_start3A_15 = arith.constant 1 : i32
    %dma_start3A_16 = arith.constant 0 : i32
    %dma_start3A_17 = arith.constant 0 : i32
    %dma_start3A_18 = tpu.memref_slice %arg6[%dma_start3A_15, %dma_start3A_16, %dma_start3A_17] : memref<2x128x128xf32, #tpu.memory_space<vmem>> -> memref<1x128x128xf32, #tpu.memory_space<vmem>>
    %dma_start3A_19 = tpu.memref_squeeze %dma_start3A_18 : memref<1x128x128xf32, #tpu.memory_space<vmem>> -> memref<128x128xf32, #tpu.memory_space<vmem>>
    %dma_start3A_20 = arith.constant 0 : i32
    %dma_start3A_21 = tpu.memref_slice %arg5[%dma_start3A_14, %dma_start3A_20] : memref<2x128xi32, #tpu.memory_space<vmem>> -> memref<1x128xi32, #tpu.memory_space<vmem>>
    %dma_start3A_22 = tpu.memref_squeeze %dma_start3A_21 : memref<1x128xi32, #tpu.memory_space<vmem>> -> memref<128xi32, #tpu.memory_space<vmem>>
    %dma_start3A_23 = arith.constant 0 : i32
    %dma_start3A_24 = arith.constant 0 : i32
    %dma_start3A_25 = tpu.memref_slice %arg2[%dma_start3A_23, %dma_start3A_24] : memref<8192x128xf32, #tpu.memory_space<hbm>> -> memref<8192x128xf32, #tpu.memory_space<hbm>>
    tpu.enqueue_indirect_dma source(%dma_start3A_25 : memref<8192x128xf32, #tpu.memory_space<hbm>>) target(%dma_start3A_19 : memref<128x128xf32, #tpu.memory_space<vmem>>) offsets(%dma_start3A_22 : memref<128xi32, #tpu.memory_space<vmem>>) semaphore(%arg7 : memref<!tpu.dma_semaphore, #tpu.memory_space<semaphore_mem>>)
    %dma_wait3A = arith.constant 0 : i32
    %dma_wait3A_26 = arith.constant 0 : i32
    %dma_wait3A_27 = arith.constant 0 : i32
    %dma_wait3A_28 = arith.constant 0 : i32
    %dma_wait3A_29 = tpu.memref_slice %arg6[%dma_wait3A_26, %dma_wait3A_27, %dma_wait3A_28] : memref<2x128x128xf32, #tpu.memory_space<vmem>> -> memref<1x128x128xf32, #tpu.memory_space<vmem>>
    %dma_wait3A_30 = tpu.memref_squeeze %dma_wait3A_29 : memref<1x128x128xf32, #tpu.memory_space<vmem>> -> memref<128x128xf32, #tpu.memory_space<vmem>>
    %dma_wait3A_31 = arith.constant 0 : i32
    %dma_wait3A_32 = tpu.memref_slice %arg5[%dma_wait3A, %dma_wait3A_31] : memref<2x128xi32, #tpu.memory_space<vmem>> -> memref<1x128xi32, #tpu.memory_space<vmem>>
    %dma_wait3A_33 = tpu.memref_squeeze %dma_wait3A_32 : memref<1x128xi32, #tpu.memory_space<vmem>> -> memref<128xi32, #tpu.memory_space<vmem>>
    %dma_wait3A_34 = arith.constant 0 : i32
    %dma_wait3A_35 = arith.constant 0 : i32
    %dma_wait3A_36 = tpu.memref_slice %arg2[%dma_wait3A_34, %dma_wait3A_35] : memref<8192x128xf32, #tpu.memory_space<hbm>> -> memref<8192x128xf32, #tpu.memory_space<hbm>>
    tpu.wait_indirect_dma semaphore(%arg7 : memref<!tpu.dma_semaphore, #tpu.memory_space<semaphore_mem>>) src(%dma_wait3A_36 : memref<8192x128xf32, #tpu.memory_space<hbm>>) dst(%dma_wait3A_30 : memref<128x128xf32, #tpu.memory_space<vmem>>)
    %dma_wait3A_37 = arith.constant 1 : i32
    %dma_wait3A_38 = arith.constant 1 : i32
    %dma_wait3A_39 = arith.constant 0 : i32
    %dma_wait3A_40 = arith.constant 0 : i32
    %dma_wait3A_41 = tpu.memref_slice %arg6[%dma_wait3A_38, %dma_wait3A_39, %dma_wait3A_40] : memref<2x128x128xf32, #tpu.memory_space<vmem>> -> memref<1x128x128xf32, #tpu.memory_space<vmem>>
    %dma_wait3A_42 = tpu.memref_squeeze %dma_wait3A_41 : memref<1x128x128xf32, #tpu.memory_space<vmem>> -> memref<128x128xf32, #tpu.memory_space<vmem>>
    %dma_wait3A_43 = arith.constant 0 : i32
    %dma_wait3A_44 = tpu.memref_slice %arg5[%dma_wait3A_37, %dma_wait3A_43] : memref<2x128xi32, #tpu.memory_space<vmem>> -> memref<1x128xi32, #tpu.memory_space<vmem>>
    %dma_wait3A_45 = tpu.memref_squeeze %dma_wait3A_44 : memref<1x128xi32, #tpu.memory_space<vmem>> -> memref<128xi32, #tpu.memory_space<vmem>>
    %dma_wait3A_46 = arith.constant 0 : i32
    %dma_wait3A_47 = arith.constant 0 : i32
    %dma_wait3A_48 = tpu.memref_slice %arg2[%dma_wait3A_46, %dma_wait3A_47] : memref<8192x128xf32, #tpu.memory_space<hbm>> -> memref<8192x128xf32, #tpu.memory_space<hbm>>
    tpu.wait_indirect_dma semaphore(%arg7 : memref<!tpu.dma_semaphore, #tpu.memory_space<semaphore_mem>>) src(%dma_wait3A_48 : memref<8192x128xf32, #tpu.memory_space<hbm>>) dst(%dma_wait3A_42 : memref<128x128xf32, #tpu.memory_space<vmem>>)
    "tpu.region"() ({
      %run_scoped3A = tpu.sem_alloc : memref<!tpu.dma_semaphore, #tpu.memory_space<semaphore_mem>>
      %dma_start3A_49 = arith.constant 0 : i32
      %dma_start3A_50 = arith.constant 0 : i32
      %dma_start3A_51 = tpu.memref_slice %arg4[%mul3A_2, %dma_start3A_49, %dma_start3A_50] : memref<64x128x128xf32, #tpu.memory_space<hbm>> -> memref<2x128x128xf32, #tpu.memory_space<hbm>>
      %dma_start3A_52 = arith.constant 0 : i32
      %dma_start3A_53 = arith.constant 0 : i32
      %dma_start3A_54 = tpu.memref_slice %arg4[%mul3A_2, %dma_start3A_52, %dma_start3A_53] : memref<64x128x128xf32, #tpu.memory_space<hbm>> -> memref<2x128x128xf32, #tpu.memory_space<hbm>>
      tpu.enqueue_dma source(%arg6 : memref<2x128x128xf32, #tpu.memory_space<vmem>>) target(%dma_start3A_54 : memref<2x128x128xf32, #tpu.memory_space<hbm>>) target_semaphore(%run_scoped3A : memref<!tpu.dma_semaphore, #tpu.memory_space<semaphore_mem>>)
      %dma_wait3A_55 = arith.constant 0 : i32
      %dma_wait3A_56 = arith.constant 0 : i32
      %dma_wait3A_57 = tpu.memref_slice %arg4[%mul3A_2, %dma_wait3A_55, %dma_wait3A_56] : memref<64x128x128xf32, #tpu.memory_space<hbm>> -> memref<2x128x128xf32, #tpu.memory_space<hbm>>
      %dma_wait3A_58 = arith.constant 0 : i32
      %dma_wait3A_59 = arith.constant 0 : i32
      %dma_wait3A_60 = tpu.memref_slice %arg4[%mul3A_2, %dma_wait3A_58, %dma_wait3A_59] : memref<64x128x128xf32, #tpu.memory_space<hbm>> -> memref<2x128x128xf32, #tpu.memory_space<hbm>>
      tpu.wait_dma2 semaphore(%run_scoped3A : memref<!tpu.dma_semaphore, #tpu.memory_space<semaphore_mem>>) src(%arg6 : memref<2x128x128xf32, #tpu.memory_space<vmem>>) dst(%dma_wait3A_60 : memref<2x128x128xf32, #tpu.memory_space<hbm>>)
      tpu.yield
    }) : () -> ()
    return
  }
}

module attributes {stable_mosaic.version = 14 : i64} {
  func.func @_whole_kernel(%arg0: memref<8192x2xf32, #tpu.memory_space<vmem>>, %arg1: memref<2x128xf32, #tpu.memory_space<vmem>>, %arg2: memref<1x128xf32, #tpu.memory_space<vmem>>, %arg3: memref<8192x128xf32, #tpu.memory_space<vmem>>) attributes {dimension_semantics = [], scalar_prefetch = 0 : i64, scratch_operands = 0 : i64, tpu.core_type = #tpu.core_type<tc>} {
    %get3A = arith.constant 0 : index
    %get3A_0 = arith.constant 0 : index
    %get3A_1 = vector.load %arg0[%get3A, %get3A_0] : memref<8192x2xf32, #tpu.memory_space<vmem>>, vector<8192x2xf32>
    %slice3A = vector.extract_strided_slice %get3A_1 {offsets = [0, 0], sizes = [8192, 1], strides = [1, 1]} : vector<8192x2xf32> to vector<8192x1xf32>
    %get3A_2 = arith.constant 0 : index
    %get3A_3 = arith.constant 0 : index
    %get3A_4 = vector.load %arg1[%get3A_2, %get3A_3] : memref<2x128xf32, #tpu.memory_space<vmem>>, vector<1x128xf32>
    %mul3A = vector.broadcast %slice3A : vector<8192x1xf32> to vector<8192x128xf32>
    %mul3A_5 = vector.broadcast %get3A_4 : vector<1x128xf32> to vector<8192x128xf32>
    %mul3A_6 = arith.mulf %mul3A, %mul3A_5 : vector<8192x128xf32>
    %slice3A_7 = vector.extract_strided_slice %get3A_1 {offsets = [0, 1], sizes = [8192, 1], strides = [1, 1]} : vector<8192x2xf32> to vector<8192x1xf32>
    %get3A_8 = arith.constant 1 : index
    %get3A_9 = arith.constant 0 : index
    %get3A_10 = vector.load %arg1[%get3A_8, %get3A_9] : memref<2x128xf32, #tpu.memory_space<vmem>>, vector<1x128xf32>
    %mul3A_11 = vector.broadcast %slice3A_7 : vector<8192x1xf32> to vector<8192x128xf32>
    %mul3A_12 = vector.broadcast %get3A_10 : vector<1x128xf32> to vector<8192x128xf32>
    %mul3A_13 = arith.mulf %mul3A_11, %mul3A_12 : vector<8192x128xf32>
    %add3A = arith.addf %mul3A_6, %mul3A_13 : vector<8192x128xf32>
    %get3A_14 = arith.constant 0 : index
    %get3A_15 = arith.constant 0 : index
    %get3A_16 = vector.load %arg2[%get3A_14, %get3A_15] : memref<1x128xf32, #tpu.memory_space<vmem>>, vector<1x128xf32>
    %add3A_17 = vector.broadcast %get3A_16 : vector<1x128xf32> to vector<8192x128xf32>
    %add3A_18 = arith.addf %add3A, %add3A_17 : vector<8192x128xf32>
    %swap3A = arith.constant 0 : index
    %swap3A_19 = arith.constant 0 : index
    %swap3A_20 = vector.load %arg3[%swap3A, %swap3A_19] : memref<8192x128xf32, #tpu.memory_space<vmem>>, vector<8192x128xf32>
    tpu.vector_store %arg3[%swap3A, %swap3A_19], %add3A_18 {strides = array<i32>} : memref<8192x128xf32, #tpu.memory_space<vmem>>, vector<8192x128xf32>,
    return
  }
}

module attributes {stable_mosaic.version = 14 : i64} {
  func.func @_kv_kernel(%arg0: i32, %arg1: memref<1x2048x2xf32, #tpu.memory_space<vmem>>, %arg2: memref<1x2048x2xf32, #tpu.memory_space<vmem>>, %arg3: memref<2x128xf32, #tpu.memory_space<vmem>>, %arg4: memref<1x128xf32, #tpu.memory_space<vmem>>, %arg5: memref<2x128xf32, #tpu.memory_space<vmem>>, %arg6: memref<128x128xf32, #tpu.memory_space<vmem>>, %arg7: memref<1x128xf32, #tpu.memory_space<vmem>>, %arg8: memref<128x128xf32, #tpu.memory_space<vmem>>, %arg9: memref<128x128xf32, #tpu.memory_space<vmem>>, %arg10: memref<1x2048x128xf32, #tpu.memory_space<vmem>>, %arg11: memref<1x2048x128xf32, #tpu.memory_space<vmem>>) attributes {dimension_semantics = [#tpu.dimension_semantics<arbitrary>], iteration_bounds = array<i64: 4>, scalar_prefetch = 0 : i64, scratch_operands = 0 : i64, tpu.core_type = #tpu.core_type<tc>, window_params = [{transform_indices = @transform_0, window_bounds = array<i64: 1, 2048, 2>}, {transform_indices = @transform_1, window_bounds = array<i64: 1, 2048, 2>}, {pipeline_mode = #tpu.pipeline_mode<synchronous>, transform_indices = @transform_2, window_bounds = array<i64: 2, 128>}, {pipeline_mode = #tpu.pipeline_mode<synchronous>, transform_indices = @transform_3, window_bounds = array<i64: 1, 128>}, {pipeline_mode = #tpu.pipeline_mode<synchronous>, transform_indices = @transform_4, window_bounds = array<i64: 2, 128>}, {pipeline_mode = #tpu.pipeline_mode<synchronous>, transform_indices = @transform_5, window_bounds = array<i64: 128, 128>}, {pipeline_mode = #tpu.pipeline_mode<synchronous>, transform_indices = @transform_6, window_bounds = array<i64: 1, 128>}, {pipeline_mode = #tpu.pipeline_mode<synchronous>, transform_indices = @transform_7, window_bounds = array<i64: 128, 128>}, {pipeline_mode = #tpu.pipeline_mode<synchronous>, transform_indices = @transform_8, window_bounds = array<i64: 128, 128>}, {transform_indices = @transform_9, window_bounds = array<i64: 1, 2048, 128>}, {transform_indices = @transform_10, window_bounds = array<i64: 1, 2048, 128>}]} {
    %get3A = arith.constant 0 : index
    %get3A_0 = arith.constant 0 : index
    %get3A_1 = arith.constant 0 : index
    %get3A_2 = vector.load %arg1[%get3A, %get3A_0, %get3A_1] : memref<1x2048x2xf32, #tpu.memory_space<vmem>>, vector<1x2048x2xf32>
    %get3A_3 = vector.shape_cast %get3A_2 : vector<1x2048x2xf32> to vector<2048x2xf32>
    %get3A_4 = arith.constant 0 : index
    %get3A_5 = arith.constant 0 : index
    %get3A_6 = arith.constant 0 : index
    %get3A_7 = vector.load %arg2[%get3A_4, %get3A_5, %get3A_6] : memref<1x2048x2xf32, #tpu.memory_space<vmem>>, vector<1x2048x2xf32>
    %get3A_8 = vector.shape_cast %get3A_7 : vector<1x2048x2xf32> to vector<2048x2xf32>
    %slice3A = vector.extract_strided_slice %get3A_8 {offsets = [0, 0], sizes = [2048, 1], strides = [1, 1]} : vector<2048x2xf32> to vector<2048x1xf32>
    %get3A_9 = arith.constant 0 : index
    %get3A_10 = arith.constant 0 : index
    %get3A_11 = vector.load %arg3[%get3A_9, %get3A_10] : memref<2x128xf32, #tpu.memory_space<vmem>>, vector<1x128xf32>
    %mul3A = vector.broadcast %slice3A : vector<2048x1xf32> to vector<2048x128xf32>
    %mul3A_12 = vector.broadcast %get3A_11 : vector<1x128xf32> to vector<2048x128xf32>
    %mul3A_13 = arith.mulf %mul3A, %mul3A_12 : vector<2048x128xf32>
    %slice3A_14 = vector.extract_strided_slice %get3A_8 {offsets = [0, 1], sizes = [2048, 1], strides = [1, 1]} : vector<2048x2xf32> to vector<2048x1xf32>
    %get3A_15 = arith.constant 1 : index
    %get3A_16 = arith.constant 0 : index
    %get3A_17 = vector.load %arg3[%get3A_15, %get3A_16] : memref<2x128xf32, #tpu.memory_space<vmem>>, vector<1x128xf32>
    %mul3A_18 = vector.broadcast %slice3A_14 : vector<2048x1xf32> to vector<2048x128xf32>
    %mul3A_19 = vector.broadcast %get3A_17 : vector<1x128xf32> to vector<2048x128xf32>
    %mul3A_20 = arith.mulf %mul3A_18, %mul3A_19 : vector<2048x128xf32>
    %add3A = arith.addf %mul3A_13, %mul3A_20 : vector<2048x128xf32>
    %get3A_21 = arith.constant 0 : index
    %get3A_22 = arith.constant 0 : index
    %get3A_23 = vector.load %arg4[%get3A_21, %get3A_22] : memref<1x128xf32, #tpu.memory_space<vmem>>, vector<1x128xf32>
    %add3A_24 = vector.broadcast %get3A_23 : vector<1x128xf32> to vector<2048x128xf32>
    %add3A_25 = arith.addf %add3A, %add3A_24 : vector<2048x128xf32>
    %slice3A_26 = vector.extract_strided_slice %get3A_3 {offsets = [0, 0], sizes = [2048, 1], strides = [1, 1]} : vector<2048x2xf32> to vector<2048x1xf32>
    %get3A_27 = arith.constant 0 : index
    %get3A_28 = arith.constant 0 : index
    %get3A_29 = vector.load %arg5[%get3A_27, %get3A_28] : memref<2x128xf32, #tpu.memory_space<vmem>>, vector<1x128xf32>
    %mul3A_30 = vector.broadcast %slice3A_26 : vector<2048x1xf32> to vector<2048x128xf32>
    %mul3A_31 = vector.broadcast %get3A_29 : vector<1x128xf32> to vector<2048x128xf32>
    %mul3A_32 = arith.mulf %mul3A_30, %mul3A_31 : vector<2048x128xf32>
    %add3A_33 = arith.addf %add3A_25, %mul3A_32 : vector<2048x128xf32>
    %slice3A_34 = vector.extract_strided_slice %get3A_3 {offsets = [0, 1], sizes = [2048, 1], strides = [1, 1]} : vector<2048x2xf32> to vector<2048x1xf32>
    %get3A_35 = arith.constant 1 : index
    %get3A_36 = arith.constant 0 : index
    %get3A_37 = vector.load %arg5[%get3A_35, %get3A_36] : memref<2x128xf32, #tpu.memory_space<vmem>>, vector<1x128xf32>
    %mul3A_38 = vector.broadcast %slice3A_34 : vector<2048x1xf32> to vector<2048x128xf32>
    %mul3A_39 = vector.broadcast %get3A_37 : vector<1x128xf32> to vector<2048x128xf32>
    %mul3A_40 = arith.mulf %mul3A_38, %mul3A_39 : vector<2048x128xf32>
    %add3A_41 = arith.addf %add3A_33, %mul3A_40 : vector<2048x128xf32>
    %get3A_42 = arith.constant 0 : index
    %get3A_43 = arith.constant 0 : index
    %get3A_44 = vector.load %arg6[%get3A_42, %get3A_43] : memref<128x128xf32, #tpu.memory_space<vmem>>, vector<128x128xf32>
    %dot_general3A = arith.constant dense<0.000000e+00> : vector<2048x128xf32>
    %dot_general3A_45 = tpu.matmul %add3A_41, %get3A_44, %dot_general3A {dimension_numbers = #tpu.dot_dimension_numbers<[1], [0], [0], [1], [0, 0, 1, 1], [], []>, transpose_lhs_hint = false} : vector<2048x128xf32>, vector<128x128xf32>, vector<2048x128xf32> -> vector<2048x128xf32>
    %get3A_46 = arith.constant 0 : index
    %get3A_47 = arith.constant 0 : index
    %get3A_48 = vector.load %arg7[%get3A_46, %get3A_47] : memref<1x128xf32, #tpu.memory_space<vmem>>, vector<1x128xf32>
    %add3A_49 = vector.broadcast %get3A_48 : vector<1x128xf32> to vector<2048x128xf32>
    %add3A_50 = arith.addf %dot_general3A_45, %add3A_49 : vector<2048x128xf32>
    %max3A = arith.constant 0.000000e+00 : f32
    %max3A_51 = vector.broadcast %max3A : f32 to vector<2048x128xf32>
    %max3A_52 = arith.maximumf %add3A_50, %max3A_51 : vector<2048x128xf32>
    %get3A_53 = arith.constant 0 : index
    %get3A_54 = arith.constant 0 : index
    %get3A_55 = vector.load %arg8[%get3A_53, %get3A_54] : memref<128x128xf32, #tpu.memory_space<vmem>>, vector<128x128xf32>
    %dot_general3A_56 = arith.constant dense<0.000000e+00> : vector<2048x128xf32>
    %dot_general3A_57 = tpu.matmul %max3A_52, %get3A_55, %dot_general3A_56 {dimension_numbers = #tpu.dot_dimension_numbers<[1], [0], [0], [1], [0, 0, 1, 1], [], []>, transpose_lhs_hint = false} : vector<2048x128xf32>, vector<128x128xf32>, vector<2048x128xf32> -> vector<2048x128xf32>
    %swap3A = arith.constant 0 : index
    %swap3A_58 = arith.constant 0 : index
    %swap3A_59 = arith.constant 0 : index
    %swap3A_60 = vector.load %arg10[%swap3A, %swap3A_58, %swap3A_59] : memref<1x2048x128xf32, #tpu.memory_space<vmem>>, vector<1x2048x128xf32>
    %swap3A_61 = vector.shape_cast %swap3A_60 : vector<1x2048x128xf32> to vector<2048x128xf32>
    %swap3A_62 = vector.shape_cast %dot_general3A_57 : vector<2048x128xf32> to vector<1x2048x128xf32>
    tpu.vector_store %arg10[%swap3A, %swap3A_58, %swap3A_59], %swap3A_62 {strides = array<i32>} : memref<1x2048x128xf32, #tpu.memory_space<vmem>>, vector<1x2048x128xf32>,
    %get3A_63 = arith.constant 0 : index
    %get3A_64 = arith.constant 0 : index
    %get3A_65 = vector.load %arg9[%get3A_63, %get3A_64] : memref<128x128xf32, #tpu.memory_space<vmem>>, vector<128x128xf32>
    %dot_general3A_66 = arith.constant dense<0.000000e+00> : vector<2048x128xf32>
    %dot_general3A_67 = tpu.matmul %max3A_52, %get3A_65, %dot_general3A_66 {dimension_numbers = #tpu.dot_dimension_numbers<[1], [0], [0], [1], [0, 0, 1, 1], [], []>, transpose_lhs_hint = false} : vector<2048x128xf32>, vector<128x128xf32>, vector<2048x128xf32> -> vector<2048x128xf32>
    %swap3A_68 = arith.constant 0 : index
    %swap3A_69 = arith.constant 0 : index
    %swap3A_70 = arith.constant 0 : index
    %swap3A_71 = vector.load %arg11[%swap3A_68, %swap3A_69, %swap3A_70] : memref<1x2048x128xf32, #tpu.memory_space<vmem>>, vector<1x2048x128xf32>
    %swap3A_72 = vector.shape_cast %swap3A_71 : vector<1x2048x128xf32> to vector<2048x128xf32>
    %swap3A_73 = vector.shape_cast %dot_general3A_67 : vector<2048x128xf32> to vector<1x2048x128xf32>
    tpu.vector_store %arg11[%swap3A_68, %swap3A_69, %swap3A_70], %swap3A_73 {strides = array<i32>} : memref<1x2048x128xf32, #tpu.memory_space<vmem>>, vector<1x2048x128xf32>,
    return
  }
  func.func @transform_0(%arg0: i32) -> (i32, i32, i32) {
    %c0_i32 = arith.constant 0 : i32
    %c0_i32_0 = arith.constant 0 : i32
    %c0_i32_1 = arith.constant 0 : i32
    return %arg0, %c0_i32, %c0_i32_0 : i32, i32, i32
  }
  func.func @transform_1(%arg0: i32) -> (i32, i32, i32) {
    %c0_i32 = arith.constant 0 : i32
    %c0_i32_0 = arith.constant 0 : i32
    %c0_i32_1 = arith.constant 0 : i32
    return %arg0, %c0_i32, %c0_i32_0 : i32, i32, i32
  }
  func.func @transform_2(%arg0: i32) -> (i32, i32) {
    %c0_i32 = arith.constant 0 : i32
    %c0_i32_0 = arith.constant 0 : i32
    %c0_i32_1 = arith.constant 0 : i32
    return %c0_i32, %c0_i32_0 : i32, i32
  }
  func.func @transform_3(%arg0: i32) -> (i32, i32) {
    %c0_i32 = arith.constant 0 : i32
    %c0_i32_0 = arith.constant 0 : i32
    %c0_i32_1 = arith.constant 0 : i32
    return %c0_i32, %c0_i32_0 : i32, i32
  }
  func.func @transform_4(%arg0: i32) -> (i32, i32) {
    %c0_i32 = arith.constant 0 : i32
    %c0_i32_0 = arith.constant 0 : i32
    %c0_i32_1 = arith.constant 0 : i32
    return %c0_i32, %c0_i32_0 : i32, i32
  }
  func.func @transform_5(%arg0: i32) -> (i32, i32) {
    %c0_i32 = arith.constant 0 : i32
    %c0_i32_0 = arith.constant 0 : i32
    %c0_i32_1 = arith.constant 0 : i32
    return %c0_i32, %c0_i32_0 : i32, i32
  }
  func.func @transform_6(%arg0: i32) -> (i32, i32) {
    %c0_i32 = arith.constant 0 : i32
    %c0_i32_0 = arith.constant 0 : i32
    %c0_i32_1 = arith.constant 0 : i32
    return %c0_i32, %c0_i32_0 : i32, i32
  }
  func.func @transform_7(%arg0: i32) -> (i32, i32) {
    %c0_i32 = arith.constant 0 : i32
    %c0_i32_0 = arith.constant 0 : i32
    %c0_i32_1 = arith.constant 0 : i32
    return %c0_i32, %c0_i32_0 : i32, i32
  }
  func.func @transform_8(%arg0: i32) -> (i32, i32) {
    %c0_i32 = arith.constant 0 : i32
    %c0_i32_0 = arith.constant 0 : i32
    %c0_i32_1 = arith.constant 0 : i32
    return %c0_i32, %c0_i32_0 : i32, i32
  }
  func.func @transform_9(%arg0: i32) -> (i32, i32, i32) {
    %c0_i32 = arith.constant 0 : i32
    %c0_i32_0 = arith.constant 0 : i32
    %c0_i32_1 = arith.constant 0 : i32
    return %arg0, %c0_i32, %c0_i32_0 : i32, i32, i32
  }
  func.func @transform_10(%arg0: i32) -> (i32, i32, i32) {
    %c0_i32 = arith.constant 0 : i32
    %c0_i32_0 = arith.constant 0 : i32
    %c0_i32_1 = arith.constant 0 : i32
    return %arg0, %c0_i32, %c0_i32_0 : i32, i32, i32
  }
}

module attributes {stable_mosaic.version = 14 : i64} {
  func.func @_attn_kernel(%arg0: i32, %arg1: i32, %arg2: memref<1x512x128xf32, #tpu.memory_space<vmem>>, %arg3: memref<1x2048x128xf32, #tpu.memory_space<vmem>>, %arg4: memref<1x2048x128xf32, #tpu.memory_space<vmem>>, %arg5: memref<512x128xf32, #tpu.memory_space<vmem>>, %arg6: memref<128x128xf32, #tpu.memory_space<vmem>>, %arg7: memref<128x128xf32, #tpu.memory_space<vmem>>, %arg8: memref<1x512x128xf32, #tpu.memory_space<vmem>>) attributes {dimension_semantics = [#tpu.dimension_semantics<arbitrary>, #tpu.dimension_semantics<arbitrary>], iteration_bounds = array<i64: 4, 4>, scalar_prefetch = 0 : i64, scratch_operands = 0 : i64, tpu.core_type = #tpu.core_type<tc>, window_params = [{transform_indices = @transform_0, window_bounds = array<i64: 1, 512, 128>}, {transform_indices = @transform_1, window_bounds = array<i64: 1, 2048, 128>}, {transform_indices = @transform_2, window_bounds = array<i64: 1, 2048, 128>}, {transform_indices = @transform_3, window_bounds = array<i64: 512, 128>}, {pipeline_mode = #tpu.pipeline_mode<synchronous>, transform_indices = @transform_4, window_bounds = array<i64: 128, 128>}, {pipeline_mode = #tpu.pipeline_mode<synchronous>, transform_indices = @transform_5, window_bounds = array<i64: 128, 128>}, {transform_indices = @transform_6, window_bounds = array<i64: 1, 512, 128>}]} {
    %get3A = arith.constant 0 : index
    %get3A_0 = arith.constant 0 : index
    %get3A_1 = arith.constant 0 : index
    %get3A_2 = vector.load %arg2[%get3A, %get3A_0, %get3A_1] : memref<1x512x128xf32, #tpu.memory_space<vmem>>, vector<1x512x128xf32>
    %get3A_3 = vector.shape_cast %get3A_2 : vector<1x512x128xf32> to vector<512x128xf32>
    %get3A_4 = arith.constant 0 : index
    %get3A_5 = arith.constant 0 : index
    %get3A_6 = vector.load %arg5[%get3A_4, %get3A_5] : memref<512x128xf32, #tpu.memory_space<vmem>>, vector<512x128xf32>
    %add3A = arith.addf %get3A_3, %get3A_6 : vector<512x128xf32>
    %get3A_7 = arith.constant 0 : index
    %get3A_8 = arith.constant 0 : index
    %get3A_9 = vector.load %arg6[%get3A_7, %get3A_8] : memref<128x128xf32, #tpu.memory_space<vmem>>, vector<128x128xf32>
    %dot_general3A = arith.constant dense<0.000000e+00> : vector<512x128xf32>
    %dot_general3A_10 = tpu.matmul %add3A, %get3A_9, %dot_general3A {dimension_numbers = #tpu.dot_dimension_numbers<[1], [0], [0], [1], [0, 0, 1, 1], [], []>, transpose_lhs_hint = false} : vector<512x128xf32>, vector<128x128xf32>, vector<512x128xf32> -> vector<512x128xf32>
    %get3A_11 = arith.constant 0 : index
    %get3A_12 = arith.constant 0 : index
    %get3A_13 = arith.constant 0 : index
    %get3A_14 = vector.load %arg3[%get3A_11, %get3A_12, %get3A_13] : memref<1x2048x128xf32, #tpu.memory_space<vmem>>, vector<1x2048x128xf32>
    %get3A_15 = vector.shape_cast %get3A_14 : vector<1x2048x128xf32> to vector<2048x128xf32>
    %dot_general3A_16 = arith.constant dense<0.000000e+00> : vector<512x2048xf32>
    %dot_general3A_17 = tpu.matmul %dot_general3A_10, %get3A_15, %dot_general3A_16 {dimension_numbers = #tpu.dot_dimension_numbers<[1], [1], [0], [0], [0, 0, 1, 0], [], []>, transpose_lhs_hint = false} : vector<512x128xf32>, vector<2048x128xf32>, vector<512x2048xf32> -> vector<512x2048xf32>
    %mul3A = arith.constant 0.0883883461 : f32
    %mul3A_18 = vector.broadcast %mul3A : f32 to vector<512x2048xf32>
    %mul3A_19 = arith.mulf %dot_general3A_17, %mul3A_18 : vector<512x2048xf32>
    %reduce_max3A = arith.constant dense<0xFF800000> : vector<512xf32>
    %reduce_max3A_20 = vector.multi_reduction <maximumf>, %mul3A_19, %reduce_max3A [1] : vector<512x2048xf32> to vector<512xf32>
    %broadcast_in_dim3A = vector.shape_cast %reduce_max3A_20 : vector<512xf32> to vector<512x1xf32>
    %sub3A = vector.broadcast %broadcast_in_dim3A : vector<512x1xf32> to vector<512x2048xf32>
    %sub3A_21 = arith.subf %mul3A_19, %sub3A : vector<512x2048xf32>
    %exp3A = math.exp %sub3A_21 : vector<512x2048xf32>
    %reduce_sum3A = arith.constant dense<0.000000e+00> : vector<512xf32>
    %reduce_sum3A_22 = vector.multi_reduction <add>, %exp3A, %reduce_sum3A [1] : vector<512x2048xf32> to vector<512xf32>
    %broadcast_in_dim3A_23 = vector.shape_cast %reduce_sum3A_22 : vector<512xf32> to vector<512x1xf32>
    %get3A_24 = arith.constant 0 : index
    %get3A_25 = arith.constant 0 : index
    %get3A_26 = arith.constant 0 : index
    %get3A_27 = vector.load %arg4[%get3A_24, %get3A_25, %get3A_26] : memref<1x2048x128xf32, #tpu.memory_space<vmem>>, vector<1x2048x128xf32>
    %get3A_28 = vector.shape_cast %get3A_27 : vector<1x2048x128xf32> to vector<2048x128xf32>
    %dot_general3A_29 = arith.constant dense<0.000000e+00> : vector<512x128xf32>
    %dot_general3A_30 = tpu.matmul %exp3A, %get3A_28, %dot_general3A_29 {dimension_numbers = #tpu.dot_dimension_numbers<[1], [0], [0], [1], [0, 0, 1, 1], [], []>, transpose_lhs_hint = false} : vector<512x2048xf32>, vector<2048x128xf32>, vector<512x128xf32> -> vector<512x128xf32>
    %div3A = vector.broadcast %broadcast_in_dim3A_23 : vector<512x1xf32> to vector<512x128xf32>
    %div3A_31 = arith.divf %dot_general3A_30, %div3A : vector<512x128xf32>
    %get3A_32 = arith.constant 0 : index
    %get3A_33 = arith.constant 0 : index
    %get3A_34 = vector.load %arg7[%get3A_32, %get3A_33] : memref<128x128xf32, #tpu.memory_space<vmem>>, vector<128x128xf32>
    %dot_general3A_35 = arith.constant dense<0.000000e+00> : vector<512x128xf32>
    %dot_general3A_36 = tpu.matmul %div3A_31, %get3A_34, %dot_general3A_35 {dimension_numbers = #tpu.dot_dimension_numbers<[1], [0], [0], [1], [0, 0, 1, 1], [], []>, transpose_lhs_hint = false} : vector<512x128xf32>, vector<128x128xf32>, vector<512x128xf32> -> vector<512x128xf32>
    %swap3A = arith.constant 0 : index
    %swap3A_37 = arith.constant 0 : index
    %swap3A_38 = arith.constant 0 : index
    %swap3A_39 = vector.load %arg8[%swap3A, %swap3A_37, %swap3A_38] : memref<1x512x128xf32, #tpu.memory_space<vmem>>, vector<1x512x128xf32>
    %swap3A_40 = vector.shape_cast %swap3A_39 : vector<1x512x128xf32> to vector<512x128xf32>
    %swap3A_41 = vector.shape_cast %dot_general3A_36 : vector<512x128xf32> to vector<1x512x128xf32>
    tpu.vector_store %arg8[%swap3A, %swap3A_37, %swap3A_38], %swap3A_41 {strides = array<i32>} : memref<1x512x128xf32, #tpu.memory_space<vmem>>, vector<1x512x128xf32>,
    return
  }
  func.func @transform_0(%arg0: i32, %arg1: i32) -> (i32, i32, i32) {
    %c0_i32 = arith.constant 0 : i32
    %c0_i32_0 = arith.constant 0 : i32
    return %arg0, %arg1, %c0_i32 : i32, i32, i32
  }
  func.func @transform_1(%arg0: i32, %arg1: i32) -> (i32, i32, i32) {
    %c0_i32 = arith.constant 0 : i32
    %c0_i32_0 = arith.constant 0 : i32
    %c0_i32_1 = arith.constant 0 : i32
    return %arg0, %c0_i32, %c0_i32_0 : i32, i32, i32
  }
  func.func @transform_2(%arg0: i32, %arg1: i32) -> (i32, i32, i32) {
    %c0_i32 = arith.constant 0 : i32
    %c0_i32_0 = arith.constant 0 : i32
    %c0_i32_1 = arith.constant 0 : i32
    return %arg0, %c0_i32, %c0_i32_0 : i32, i32, i32
  }
  func.func @transform_3(%arg0: i32, %arg1: i32) -> (i32, i32) {
    %c0_i32 = arith.constant 0 : i32
    %c0_i32_0 = arith.constant 0 : i32
    return %arg1, %c0_i32 : i32, i32
  }
  func.func @transform_4(%arg0: i32, %arg1: i32) -> (i32, i32) {
    %c0_i32 = arith.constant 0 : i32
    %c0_i32_0 = arith.constant 0 : i32
    %c0_i32_1 = arith.constant 0 : i32
    return %c0_i32, %c0_i32_0 : i32, i32
  }
  func.func @transform_5(%arg0: i32, %arg1: i32) -> (i32, i32) {
    %c0_i32 = arith.constant 0 : i32
    %c0_i32_0 = arith.constant 0 : i32
    %c0_i32_1 = arith.constant 0 : i32
    return %c0_i32, %c0_i32_0 : i32, i32
  }
  func.func @transform_6(%arg0: i32, %arg1: i32) -> (i32, i32, i32) {
    %c0_i32 = arith.constant 0 : i32
    %c0_i32_0 = arith.constant 0 : i32
    return %arg0, %arg1, %c0_i32 : i32, i32, i32
  }
}

</mosaic_0001>

<sc_bundles>
// kernel: kernel.6.cloned.1.call-start
scs
__scs_entry_jumppad:
0x0: {  	(pc) =	sbr.rel $0x88, $3  }
0x1: {  	(tag) =	ssettag $0x0;
	lr =	simm.s32 $0x1  }
0x2: {  	[smem:$0x3F93] =	sst lr;
	_ =	strace $0xD0000000  }
0x3: {  	_ = 	snop  }
0x4: {  	_ = 	snop  }
0x5: {  	_ = 	snop  }
0x6: {  	_ = 	snop  }
0x7: {  	_ = 	snop  }
__scs_overlays_trampoline_lowered:
0x8: {  	[smem:$0x3FA2] =	sst s0  }
0x9: {  	[smem:$0x3FA3] =	sst s1  }
0xa: {  	[smem:$0x3FA4] =	sst s2  }
0xb: {  	[smem:$0x3FA5] =	sst s3  }
0xc: {  	[smem:$0x3FA6] =	sst s4  }
0xd: {  	[smem:$0x3FA7] =	sst s5  }
0xe: {  	[smem:$0x3FA8] =	sst s6  }
0xf: {  	[smem:$0x3FA9] =	sst s7  }
0x10: {  	[smem:$0x3FAA] =	sst s8  }
0x11: {  	[smem:$0x3FAB] =	sst s9;
	s0 =	simm.s32 @!p0 $0x0  }
0x12: {  	s1 =	sld [smem:$0x3F91];
	s0 =	simm.s32 @p0 $0x1  }
0x13: {  	[smem:$0x3FAC] =	sst s0;
	s0 =	simm.s32 @!p1 $0x0  }
0x14: {  	s2 =	sld [smem:$0x3F90];
	s0 =	simm.s32 @p1 $0x1  }
0x15: {  	[smem:$0x3FAD] =	sst s0;
	s0 =	simm.s32 @!p2 $0x0  }
0x16: {  	s3 =	sld [smem:$0x3FDB];
	s0 =	simm.s32 @p2 $0x1  }
0x17: {  	s4 =	simm.s32 $0x1BF5;
	[smem:$0x3FAF] =	sst s0  }
0x18: {  	s0 =	sld [smem:$0x3F92];
	_ =	swait.ge [sflag:s4], $0x0  }
0x19: {  	s7 =	sld [smem:$0x3F93]  }
0x1a: {  	s8 =	sadd.s32 $0xFFFFE003, lr  }
0x1b: {  	s9 =	sadd.s32 $0xFFFFFEF7, lr;
	s5 =	simm.s32 $0xFFFFFFFF;
	p2 =	slt.u32 s8, $0xFFFFF086  }
0x1c: {  	p1 =	slt.u32 s9, $0xF7A;
	s5 =	simm.s32 @!p2 $0x0  }
0x1d: {  	s5 =	simm.s32 @p1 $0x1;
	p0 =	seq.s32 s7, s2  }
0x1e: {  	s7 =	smul.u32 @!p0 $0xF7A, s2;
	p2 =	seq.s32 @!p0 s5, $0x0  }
0x1f: {  	s9 =	smul.u32 $0xF7A, s1;
	s8 =	simm.s32 @!p0 $0x1BF5;
	p2 =	por !p2, p0  }
0x20: {  	[sflag:s8] =	ssyncset.s32 @!p0 $0xFFFFF086;
	s6 =	sadd.s32 @!p0 s3, s7;
	s7 =	simm.s32 @!p0 $0x108  }
0x21: {  	s3 =	sadd.s32 s3, s9;
	s6 =	sadd.s32 @!p0 $0x88, s6;
	s7 =	simm.s32 @p2 $0x1082  }
0x22: {  	[simem:s7], [sflag:s8] =	dma.local @!p0 [hbm:s6], $0xF7A  }
0x23: {  	s9 =	sor.u32 $0xD0000000, s2;
	s6 =	simm.s32 $0x108;
	_ =	swait.ge @!p0 [sflag:s8], $0x0  }
0x24: {  	s3 =	sadd.s32 $0x88, s3;
	s6 =	simm.s32 @!p1 $0x1082;
	[sflag:s4] =	ssyncset.s32 $0xFFFFF086  }
0x25: {  	[simem:s6], [sflag:s4] =	dma.local [hbm:s3], $0xF7A  }
0x26: {  	[smem:$0x3F93] =	sst s1;
	(tag) =	ssettag s2;
	_ =	strace s9  }
0x27: {  	s1 =	sld [smem:$0x3FA3]  }
0x28: {  	s2 =	sld [smem:$0x3FA4]  }
0x29: {  	s4 =	sld [smem:$0x3FA6]  }
0x2a: {  	p0 =	seq.s32 s5, $0x0;
	s5 =	sld [smem:$0x3FA7]  }
0x2b: {  	s6 =	sld [smem:$0x3FA8]  }
0x2c: {  	s7 =	sld [smem:$0x3FA9]  }
0x2d: {  	s3 =	simm.s32 $0x108;
	s8 =	sld [smem:$0x3FAA]  }
0x2e: {  	s3 =	simm.s32 @!p0 $0x1082;
	s9 =	sld [smem:$0x3FAB]  }
0x2f: {  	lr =	sadd.s32 s0, s3;
	s0 =	sld [smem:$0x3FA2]  }
0x30: {  	s3 =	sld [smem:$0x3FA5]  }
0x31: {  	[smem:$0x3FAE] =	sst s10  }
0x32: {  	s10 =	sld [smem:$0x3FAC];
	_ =	sdelay $0x3  }
0x33: {  	p0 =	seq.s32 s10, $0x1;
	s10 =	sld [smem:$0x3FAE];
	_ =	sdelay $0x3  }
0x34: {  	[smem:$0x3FAE] =	sst s10  }
0x35: {  	s10 =	sld [smem:$0x3FAD];
	_ =	sdelay $0x3  }
0x36: {  	p1 =	seq.s32 s10, $0x1;
	s10 =	sld [smem:$0x3FAE];
	_ =	sdelay $0x3  }
0x37: {  	[smem:$0x3FAE] =	sst s10  }
0x38: {  	s10 =	sld [smem:$0x3FAF]  }
0x39: {  	_ = 	snop;
	(pc) =	sbr.ind lr, $3  }
0x3a: {  	_ = 	snop  }
0x3b: {  	_ = 	snop  }
0x3c: {  	p2 =	seq.s32 s10, $0x1;
	s10 =	sld [smem:$0x3FAE]  }
0x3d: {  	_ =	shalt  }
0x3e: {  	_ =	shalt  }
0x3f: {  	_ =	shalt  }
0x40: {  	_ =	shalt  }
0x41: {  	_ =	shalt  }
0x42: {  	_ =	shalt  }
0x43: {  	_ =	shalt  }
0x44: {  	_ =	shalt  }
0x45: {  	_ =	shalt  }
0x46: {  	_ =	shalt  }
0x47: {  	_ =	shalt  }
0x48: {  	_ =	shalt  }
0x49: {  	_ =	shalt  }
0x4a: {  	_ =	shalt  }
0x4b: {  	_ =	shalt  }
0x4c: {  	_ =	shalt  }
0x4d: {  	_ =	shalt  }
0x4e: {  	_ =	shalt  }
0x4f: {  	_ =	shalt  }
0x50: {  	_ =	shalt  }
0x51: {  	_ =	shalt  }
0x52: {  	_ =	shalt  }
0x53: {  	_ =	shalt  }
0x54: {  	_ =	shalt  }
0x55: {  	_ =	shalt  }
0x56: {  	_ =	shalt  }
0x57: {  	_ =	shalt  }
0x58: {  	_ =	shalt  }
0x59: {  	_ =	shalt  }
0x5a: {  	_ =	shalt  }
0x5b: {  	_ =	shalt  }
0x5c: {  	_ =	shalt  }
0x5d: {  	_ =	shalt  }
0x5e: {  	_ =	shalt  }
0x5f: {  	_ =	shalt  }
0x60: {  	_ =	shalt  }
0x61: {  	_ =	shalt  }
0x62: {  	_ =	shalt  }
0x63: {  	_ =	shalt  }
0x64: {  	_ =	shalt  }
0x65: {  	_ =	shalt  }
0x66: {  	_ =	shalt  }
0x67: {  	_ =	shalt  }
0x68: {  	_ =	shalt  }
0x69: {  	_ =	shalt  }
0x6a: {  	_ =	shalt  }
0x6b: {  	_ =	shalt  }
0x6c: {  	_ =	shalt  }
0x6d: {  	_ =	shalt  }
0x6e: {  	_ =	shalt  }
0x6f: {  	_ =	shalt  }
0x70: {  	_ =	shalt  }
0x71: {  	_ =	shalt  }
0x72: {  	_ =	shalt  }
0x73: {  	_ =	shalt  }
0x74: {  	_ =	shalt  }
0x75: {  	_ =	shalt  }
0x76: {  	_ =	shalt  }
0x77: {  	_ =	shalt  }
0x78: {  	_ =	shalt  }
0x79: {  	_ =	shalt  }
0x7a: {  	_ =	shalt  }
0x7b: {  	_ =	shalt  }
0x7c: {  	_ =	shalt  }
0x7d: {  	_ =	shalt  }
0x7e: {  	_ =	shalt  }
0x7f: {  	_ =	shalt  }
0x80: {  	_ =	shalt  }
0x81: {  	_ =	shalt  }
0x82: {  	_ =	shalt  }
0x83: {  	_ =	shalt  }
0x84: {  	_ =	shalt  }
0x85: {  	_ =	shalt  }
0x86: {  	_ =	shalt  }
0x87: {  	_ =	shalt  }
.Lfunc_end0:
.L_simem_size_0:
called_computation_lowered:
.L_overlay_start_0:
0x88: {  	s2 =	sld [smem:$0x3FD9]  }
0x89: {  	s3 =	sld [smem:$0x3FFE];
	_ =	sdelay $0x1  }
0x8a: {  	s1 =	srdreg.scid  }
0x8b: {  	s0 =	sand.u32 $0x1, s1  }
0x8c: {  	s17 =	sshll.u32 s0, $0xA;
	s2 =	sadd.s32 s3, s2  }
0x8d: {  	s2 =	sadd.s32 s2, s17  }
0x8e: {  	[smem:$0x3FBA] =	sst s2  }
0x8f: {  	_ = 	snop  }
0x90: {  	s2 =	sld [smem:$0x3FD0];
	(tm) =	ssettm $0x1  }
0x91: {  	s18 =	sld [smem:$0x3FFB];
	_ =	sdelay $0x3  }
0x92: {  	_ =	strace s18  }
0x93: {  	s3 =	sld [smem:$0x3FFC];
	_ =	sdelay $0x3  }
0x94: {  	_ =	strace s3  }
0x95: {  	s3 =	sld [smem:$0x3FFD];
	_ =	sdelay $0x3  }
0x96: {  	_ =	strace s3  }
0x97: {  	_ =	strace $0x8FFFFFFF  }
0x98: {  	s19 =	sld [smem:$0x3FDB];
	_ =	sdelay $0x1  }
0x99: {  	s4 =	simm.s32 $_scs_section_size  }
0x9a: {  	s5 =	simm.s32 $_size__tile_overlayer_lowered;
	s6 =	simm.s32 $_tile_overlayer_lowered  }
0x9b: {  	s22 =	simm.s32 $0x1BFF;
	s21 =	sshll.u32 s6, $0x1;
	s3 =	sadd.s32 s4, s19  }
0x9c: {  	s7 =	simm.s32 $0x0;
	s20 =	sshll.u32 s5, $0x1;
	s5 =	sadd.s32 s21, s3  }
0x9d: {  	[timem:s7], [sflag:s22] =	dma.local [hbm:s5], s20  }
0x9e: {  	_ =	swait.ge [sflag:s22], s20  }
0x9f: {  	s4 =	ssub.s32 $0x0, s20;
	[sflag:s22] =	ssyncset.done $0x0  }
0xa0: {  	[sflag:s22] =	ssyncadd.s32 s4;
	_ =	sdelay $0x1  }
0xa1: {  	s23 =	simm.s32 $0x1B8B  }
0xa2: {  	_ =	swait.ge [sflag:s23], $0x1  }
0xa3: {  	[sflag:s23] =	ssyncset.done $0x0  }
0xa4: {  	s25 =	simm.s32 $0x1B8E;
	s24 =	sld [smem:$0x3FFE];
	[sflag:s23] =	ssyncadd.s32 $0xFFFFFFFF  }
0xa5: {  	s26 =	simm.s32 $execute0_lowered;
	[smem:$0x3FD2] =	sst s25  }
0xa6: {  	s5 =	sshll.u32 s26, $0x1;
	_ =	strace $0x80000046;
	[dreg:$0x1] =	wrdreg $0xFFFFFFFF  }
0xa7: {  	s28 =	simm.s32 $_size_execute0_lowered;
	s3 =	sadd.s32 s3, s5;
	[dreg:$0x0] =	wrdreg $0x0  }
0xa8: {  	s5 =	sshll.u32 s28, $0x1;
	[dreg:$0x2] =	wrdreg s3  }
0xa9: {  	[dreg:$0x3] =	wrdreg s5  }
0xaa: {  	[dreg:$0x4] =	wrdreg $0xC0  }
0xab: {  	_ =	task [dreg:s7], $0x5FFFF  }
0xac: {  	[dreg:$0x1] =	wrdreg $0xFFFFFFFF  }
0xad: {  	[dreg:$0x0] =	wrdreg $0x60  }
0xae: {  	[dreg:$0x2] =	wrdreg s2  }
0xaf: {  	[dreg:$0x3] =	wrdreg s24  }
0xb0: {  	[dreg:$0x4] =	wrdreg $0x9  }
0xb1: {  	_ =	task.clear_ibuf [dreg:s7], $0x5FFFF;
	_ =	strace $0x90000046  }
0xb2: {  	s29 =	simm.s32 $0x9;
	_ =	strace $0x80000048  }
0xb3: {  	_ =	swait.ge [sflag:s29], $0x1  }
0xb4: {  	[sflag:s29] =	ssyncadd.s32 $0xFFFFFFFF  }
0xb5: {  	_ =	strace $0x90000048  }
0xb6: {  	_ =	sfence  }
0xb7: {  	s30 =	sld [smem:$0x0];
	_ =	sdelay $0x2  }
0xb8: {  	s31 =	sshll.u32 s1, $0xD;
	s1 =	sshrl.u32 s1, $0x2  }
0xb9: {  	s3 =	sand.u32 $0x4000, s31;
	s1 =	sadd.s32 s1, s30  }
0xba: {  	s0 =	sor.u32 s3, s0;
	s1 =	sshll.u32 s1, $0x11  }
0xbb: {  	s0 =	sor.u32 s1, s0  }
0xbc: {  	s0 =	sadd.s32 $0x8F2B, s0  }
0xbd: {  	[sflag:s0] =	ssyncadd.remote.s32 $0x1  }
0xbe: {  	_ =	sfence.sel $0xFFFF  }
0xbf: {  	[dreg:$0x0] =	wrdreg $0xFFFFFFFF;
	(pc) =	sbr.abs _section_cstart, $3  }
0xc0: {  	[dreg:$0x1] =	wrdreg $0xFFFFFFFF  }
0xc1: {  	_ =	task.clear_ibuf [dreg:s7], $0x2FFFF;
	_ =	strace $0x9FFFFFFF  }
0xc2: {  	(tm) =	ssettm $0x7FFFFFFF  }
0xc3: {  	_ =	shalt  }
tec
execute0_lowered:
.L_overlay_start_1:
0x0: {  	(tag) =	ssettag $0x1  }
0x1: {  	s1 =	srdreg.scid  }
0x2: {  	s0 =	stileid.u32;
	s10 =	sand.u32 $0x1, s1  }
0x3: {  	s2 =	rddreg [dreg:$0x0];
	s29 =	sshll.u32 s0, $0x2;
	s3 =	sshll.u32 s10, $0x1  }
0x4: {  	s11 =	rddreg [dreg:$0x1];
	s12 =	sor.u32 s3, s29  }
0x5: {  	s1 =	rddreg [dreg:$0x2];
	s3 =	simm.s32 $0x0;
	s4 =	sshll.u32 s12, $0x4  }
0x6: {  	[smem:$0x7FF] =	sst s3;
	s4 =	sadd.s32 s4, s11  }
0x7: {  	_ =	strace $0x80000047;
	s5 =	sadd.s32 $0x2600, s4;
	s4 =	simm.s32 $0x2  }
0x8: {  	[tilespmem:s3], [sflag:$0x2] =	stream.linear.gather [hbm4b:s5+s3], $0x100, $0x38;
	[tilespmem:$0x8100] =	vst v63  }
0x9: {  	_ =	swait.ge [sflag:s4], $0x100  }
0xa: {  	[sflag:s4] =	ssyncset.done $0x0  }
0xb: {  	s6 =	simm.s32 $0x80;
	s7 =	simm.s32 $0x100;
	[sflag:s4] =	ssyncadd.s32 $0xFFFFFF00  }
0xc: {  	[tilespmem:s7], [sflag:$0x1] =	stream.indirect.gather [hbm4b:s2+s6], $0x80, s3, s6, $0xb8;
	[tilespmem:$0x8100] =	vst v63  }
0xd: {  	s8 =	simm.s32 $0x4100;
	s9 =	simm.s32 $0x1;
	s10 =	ssub.s32 $0x2, s10  }
0xe: {  	[tilespmem:s8], [sflag:$0x1] =	stream.indirect.gather [hbm4b:s2+s6], $0x80, s6, s6, $0xb8;
	[tilespmem:$0x8100] =	vst v63  }
0xf: {  	s13 =	sshrl.u32 s10, $0x1;
	_ =	swait.ge [sflag:s9], $0x4000  }
0x10: {  	s30 =	ssub.s32 s10, s13;
	[sflag:s9] =	ssyncset.done $0x0  }
0x11: {  	s31 =	smax.u32 s30, $0x1;
	[sflag:s9] =	ssyncadd.s32 $0xFFFFC000  }
0x12: {  	s12 =	sshll.u32 s12, $0xB;
	p0 =	sne.s32 s31, $0x1;
	_ =	swait.ge [sflag:s9], $0x4000  }
.Ltmp0:
0x13: {  	s11 =	sadd.s32 s12, s11;
	[sflag:s9] =	ssyncset.done $0x0;
	(pc) =	sbr.rel @!p0 .LBB2_2-.Ltmp0, $4  }
0x14: {  	s10 =	sadd.s32 $0x2A00, s11;
	[sflag:s9] =	ssyncadd.s32 $0xFFFFC000  }
0x15: {  	[hbm4b:s10+s3] =	stream.linear.scatter [tilespmem:s7], [sflag:$0x2], $0x8000, $0x38;
	[tilespmem:$0x8100] =	vst v63  }
0x16: {  	_ =	swait.ge [sflag:s4], $0x8000  }
0x17: {  	s11 =	sadd.s32 $0xFFFFFFFF, s31;
	[sflag:s4] =	ssyncset.done $0x0  }
.LBB2_1:
0x18: {  	p0 =	sne.s32 s11, $0x1;
	s11 =	sadd.s32 $0xFFFFFFFF, s11;
	[sflag:s4] =	ssyncadd.s32 $0xFFFF8000  }
0x19: {  	[tilespmem:s3], [sflag:$0x2] =	stream.linear.gather [hbm4b:s5+s3], $0x100, $0x38;
	[tilespmem:$0x8100] =	vst v63  }
0x1a: {  	_ =	swait.ge [sflag:s4], $0x100  }
0x1b: {  	[sflag:s4] =	ssyncset.done $0x0  }
0x1c: {  	[sflag:s4] =	ssyncadd.s32 $0xFFFFFF00  }
0x1d: {  	[tilespmem:s7], [sflag:$0x1] =	stream.indirect.gather [hbm4b:s2+s6], $0x80, s3, s6, $0xb8;
	[tilespmem:$0x8100] =	vst v63  }
0x1e: {  	_ = 	snop  }
0x1f: {  	[tilespmem:s8], [sflag:$0x1] =	stream.indirect.gather [hbm4b:s2+s6], $0x80, s6, s6, $0xb8;
	[tilespmem:$0x8100] =	vst v63  }
0x20: {  	_ =	swait.ge [sflag:s9], $0x4000  }
0x21: {  	[sflag:s9] =	ssyncset.done $0x0  }
0x22: {  	[sflag:s9] =	ssyncadd.s32 $0xFFFFC000  }
0x23: {  	_ =	swait.ge [sflag:s9], $0x4000  }
.Ltmp1:
0x24: {  	[sflag:s9] =	ssyncset.done $0x0;
	(pc) =	sbr.rel @p0 .LBB2_1-.Ltmp1, $4  }
0x25: {  	[sflag:s9] =	ssyncadd.s32 $0xFFFFC000  }
0x26: {  	[hbm4b:s10+s3] =	stream.linear.scatter [tilespmem:s7], [sflag:$0x2], $0x8000, $0x38;
	[tilespmem:$0x8100] =	vst v63  }
0x27: {  	_ =	swait.ge [sflag:s4], $0x8000  }
0x28: {  	[sflag:s4] =	ssyncset.done $0x0  }
.LBB2_2:
0x29: {  	[sflag:s4] =	ssyncadd.s32 $0xFFFF8000  }
0x2a: {  	_ =	sfence.sel $0x180000  }
0x2b: {  	[bflag:$0x0] =	sbarrier.arrive $0xFFFF  }
0x2c: {  	p0 =	sne.s32 s0, $0x0;
	_ =	strace $0x90000047  }
0x2d: {  	s0 =	sadd.s32 @!p0 $0x100000, s1;
	[bflag:$0x2] =	sbarrier.arrive $0xFFFF  }
0x2e: {  	[sflag:s0] =	ssyncadd.tile.s32 @!p0 $0x1;
	_ =	shalt  }
.Lfunc_end2:
_tile_overlayer_lowered:
.L_overlay_start_2:
0x2f: {  	(tag) =	ssettag $0x2  }
0x30: {  	s0 =	rddreg [dreg:$0x0];
	s2 =	stileid.u32  }
0x31: {  	s1 =	rddreg [dreg:$0x1];
	p0 =	sne.s32 s2, $0x0  }
0x32: {  	s3 =	rddreg [dreg:$0x2];
	[bflag:$0x3] =	sbarrier.arrive $0xFFFF;
	s2 =	simm.s32 @!p0 $0x1C02  }
0x33: {  	[timem:s3], [sflag:s2] =	dma.local @!p0 [hbm:s0], s1  }
0x34: {  	s0 =	simm.s32 @!p0 $0x2  }
0x35: {  	_ =	swait.ge @!p0 [sflag:s0], s1  }
0x36: {  	s1 =	ssub.s32 @!p0 $0x0, s1;
	[sflag:s0] =	ssyncset.done @!p0 $0x0  }
0x37: {  	[sflag:s0] =	ssyncadd.s32 @!p0 s1  }
0x38: {  	[bflag:$0x3] =	sbarrier.arrive $0xFFFF  }
0x39: {  	_ =	shalt  }

</sc_bundles>
